<compile_context>
chip_gen: v7x
topology: tpu7x:2x2x1
jax: 0.10.2.dev20260603
libtpu: 0.0.44.dev20260713+nightly
codegen_flags: <defaults>
</compile_context>

<pallas_src>
import jax
import jax.numpy as jnp
from jax.experimental import pallas as pl
from jax.experimental.pallas import tpu as pltpu

BINS = 255
LOW = -20.0
HIGH = 20.0

BLK = 16384


def _twohot_block(value_ref, out_ref):
    x = value_ref[0, 0, :]
    v = jnp.clip(jnp.sign(x) * jnp.log1p(jnp.abs(x)), LOW, HIGH)
    pos = (v - LOW) / (HIGH - LOW) * (BINS - 1)
    iota = jax.lax.broadcasted_iota(jnp.int32, (BLK, BINS), 1).astype(jnp.float32)
    out_ref[...] = jnp.maximum(1.0 - jnp.abs(pos[:, None] - iota), 0.0).astype(jnp.bfloat16)


def kernel(value):
    n = value.size
    nblocks = n // BLK
    flat = value.reshape(nblocks, 1, BLK)
    out = pl.pallas_call(
        _twohot_block,
        grid=(nblocks,),
        in_specs=[pl.BlockSpec((1, 1, BLK), lambda i: (i, 0, 0))],
        out_specs=pl.BlockSpec((BLK, BINS), lambda i: (i, 0)),
        out_shape=jax.ShapeDtypeStruct((n, BINS), jnp.bfloat16),
        compiler_params=pltpu.CompilerParams(
            dimension_semantics=("parallel",),
        ),
    )(flat)
    return out.astype(jnp.float32).reshape(value.shape + (BINS,))

# --- scband reference (transcript-rebuilt; emitter-appended) ---
"""Pipeline reference for scband-two-hot-support-52020643889842 (READ-ONLY COPY).

The authoritative reference and input builder live on the scoring server;
editing this copy changes nothing except your own understanding.
"""

import jax, jax.numpy as jnp
import numpy as np

BINS = 255
LOW = -20.0
HIGH = 20.0


def symlog(x):
    return jnp.sign(x) * jnp.log1p(jnp.abs(x))


def setup_inputs(seed: int = 0) -> dict:
    key = jax.random.key(seed)
    value = jax.random.normal(key, (128, 2048), dtype=jnp.float32)
    return {"value": value}


def reference(value):
    # TwoHotSupport.encode (the module defines no forward; encode is the core op)
    v = jnp.clip(symlog(value), LOW, HIGH)
    pos = (v - LOW) / (HIGH - LOW) * (BINS - 1)
    lower = jnp.clip(jnp.floor(pos).astype(jnp.int32), 0, BINS - 1)
    upper = jnp.clip(lower + 1, 0, BINS - 1)
    upper_w = pos - lower.astype(jnp.float32)
    lower_w = 1.0 - upper_w

    n = value.size
    rows = jnp.arange(n)
    flat = jnp.zeros((n, BINS), dtype=jnp.float32)
    flat = flat.at[rows, lower.reshape(-1)].add(lower_w.reshape(-1))
    flat = flat.at[rows, upper.reshape(-1)].add(upper_w.reshape(-1))
    return flat.reshape(value.shape + (BINS,))

if __name__ == "__main__":
    import jax
    _d = setup_inputs()
    print(jax.jit(kernel)(*tuple(_d.values())))

</pallas_src>

<mosaic_0001>
module attributes {stable_mosaic.version = 14 : i64} {
  func.func @_twohot_block(%arg0: i32, %arg1: memref<1x1x16384xf32, #tpu.memory_space<vmem>>, %arg2: memref<16384x255xbf16, #tpu.memory_space<vmem>>) attributes {dimension_semantics = [#tpu.dimension_semantics<parallel>], iteration_bounds = array<i64: 16>, scalar_prefetch = 0 : i64, scratch_operands = 0 : i64, tpu.core_type = #tpu.core_type<tc>, window_params = [{transform_indices = @transform_0, window_bounds = array<i64: 1, 1, 16384>}, {transform_indices = @transform_1, window_bounds = array<i64: 16384, 255>}]} {
    %get3A = arith.constant 0 : index
    %get3A_0 = arith.constant 0 : index
    %get3A_1 = arith.constant 0 : index
    %get3A_2 = vector.load %arg1[%get3A, %get3A_0, %get3A_1] : memref<1x1x16384xf32, #tpu.memory_space<vmem>>, vector<1x1x16384xf32>
    %get3A_3 = vector.shape_cast %get3A_2 : vector<1x1x16384xf32> to vector<16384xf32>
    %sign3A = tpu.bitcast %get3A_3 : vector<16384xf32> -> vector<16384xi32>
    %sign3A_4 = arith.constant -2147483648 : i32
    %sign3A_5 = vector.broadcast %sign3A_4 : i32 to vector<16384xi32>
    %sign3A_6 = arith.andi %sign3A, %sign3A_5 : vector<16384xi32>
    %sign3A_7 = arith.constant 1065353216 : i32
    %sign3A_8 = vector.broadcast %sign3A_7 : i32 to vector<16384xi32>
    %sign3A_9 = arith.ori %sign3A_8, %sign3A_6 : vector<16384xi32>
    %sign3A_10 = tpu.bitcast %sign3A_9 : vector<16384xi32> -> vector<16384xf32>
    %sign3A_11 = math.absf %get3A_3 : vector<16384xf32>
    %sign3A_12 = arith.constant 0.000000e+00 : f32
    %sign3A_13 = vector.broadcast %sign3A_12 : f32 to vector<16384xf32>
    %sign3A_14 = arith.cmpf ogt, %sign3A_11, %sign3A_13 : vector<16384xf32>
    %sign3A_15 = arith.select %sign3A_14, %sign3A_10, %get3A_3 : vector<16384xi1>, vector<16384xf32>
    %abs3A = math.absf %get3A_3 : vector<16384xf32>
    %log1p3A = math.log1p %abs3A : vector<16384xf32>
    %mul3A = arith.mulf %sign3A_15, %log1p3A : vector<16384xf32>
    %jit3A = arith.constant -2.000000e+01 : f32
    %jit3A_16 = arith.constant 2.000000e+01 : f32
    %max3A = vector.broadcast %jit3A : f32 to vector<16384xf32>
    %max3A_17 = arith.maximumf %max3A, %mul3A : vector<16384xf32>
    %min3A = vector.broadcast %jit3A_16 : f32 to vector<16384xf32>
    %min3A_18 = arith.minimumf %min3A, %max3A_17 : vector<16384xf32>
    %sub3A = arith.constant -2.000000e+01 : f32
    %sub3A_19 = vector.broadcast %sub3A : f32 to vector<16384xf32>
    %sub3A_20 = arith.subf %min3A_18, %sub3A_19 : vector<16384xf32>
    %div3A = arith.constant 4.000000e+01 : f32
    %div3A_21 = vector.broadcast %div3A : f32 to vector<16384xf32>
    %div3A_22 = arith.divf %sub3A_20, %div3A_21 : vector<16384xf32>
    %mul3A_23 = arith.constant 2.540000e+02 : f32
    %mul3A_24 = vector.broadcast %mul3A_23 : f32 to vector<16384xf32>
    %mul3A_25 = arith.mulf %div3A_22, %mul3A_24 : vector<16384xf32>
    %iota3A = tpu.iota {dimensions = array<i32: 1>} : vector<16384x255xi32>
    %convert_element_type3A = arith.sitofp %iota3A : vector<16384x255xi32> to vector<16384x255xf32>
    %broadcast_in_dim3A = vector.shape_cast %mul3A_25 : vector<16384xf32> to vector<16384x1xf32>
    %sub3A_26 = vector.broadcast %broadcast_in_dim3A : vector<16384x1xf32> to vector<16384x255xf32>
    %sub3A_27 = arith.subf %sub3A_26, %convert_element_type3A : vector<16384x255xf32>
    %abs3A_28 = math.absf %sub3A_27 : vector<16384x255xf32>
    %sub3A_29 = arith.constant 1.000000e+00 : f32
    %sub3A_30 = vector.broadcast %sub3A_29 : f32 to vector<16384x255xf32>
    %sub3A_31 = arith.subf %sub3A_30, %abs3A_28 : vector<16384x255xf32>
    %max3A_32 = arith.constant 0.000000e+00 : f32
    %max3A_33 = vector.broadcast %max3A_32 : f32 to vector<16384x255xf32>
    %max3A_34 = arith.maximumf %sub3A_31, %max3A_33 : vector<16384x255xf32>
    %convert_element_type3A_35 = arith.truncf %max3A_34 : vector<16384x255xf32> to vector<16384x255xbf16>
    %swap3A = arith.constant 0 : index
    %swap3A_36 = arith.constant 0 : index
    %swap3A_37 = vector.load %arg2[%swap3A, %swap3A_36] : memref<16384x255xbf16, #tpu.memory_space<vmem>>, vector<16384x255xbf16>
    tpu.vector_store %arg2[%swap3A, %swap3A_36], %convert_element_type3A_35 {strides = array<i32>} : memref<16384x255xbf16, #tpu.memory_space<vmem>>, vector<16384x255xbf16>,
    return
  }
  func.func @transform_0(%arg0: i32) -> (i32, i32, i32) {
    %c0_i32 = arith.constant 0 : i32
    %c0_i32_0 = arith.constant 0 : i32
    %c0_i32_1 = arith.constant 0 : i32
    return %arg0, %c0_i32, %c0_i32_0 : i32, i32, i32
  }
  func.func @transform_1(%arg0: i32) -> (i32, i32) {
    %c0_i32 = arith.constant 0 : i32
    %c0_i32_0 = arith.constant 0 : i32
    return %arg0, %c0_i32 : i32, i32
  }
}

</mosaic_0001>

<sc_bundles>
// kernel: sparse-core-data-format-call.cloned.1.call-start
scs
called_computation_lowered:
.L_overlay_start_0:
0x0: {  	s2 =	sld [smem:$0x3FD9]  }
0x1: {  	s3 =	sld [smem:$0x3FFE];
	_ =	sdelay $0x1  }
0x2: {  	s1 =	srdreg.scid  }
0x3: {  	s0 =	sand.u32 $0x1, s1  }
0x4: {  	s18 =	sshll.u32 s0, $0xA;
	s2 =	sadd.s32 s3, s2  }
0x5: {  	s2 =	sadd.s32 s2, s18  }
0x6: {  	[smem:$0x3FC7] =	sst s2  }
0x7: {  	_ = 	snop  }
0x8: {  	s2 =	sld [smem:$0x3FD0];
	(tm) =	ssettm $0x1  }
0x9: {  	s19 =	sld [smem:$0x3FFB];
	_ =	sdelay $0x3  }
0xa: {  	_ =	strace s19  }
0xb: {  	s3 =	sld [smem:$0x3FFC];
	_ =	sdelay $0x3  }
0xc: {  	_ =	strace s3  }
0xd: {  	s3 =	sld [smem:$0x3FFD];
	_ =	sdelay $0x3  }
0xe: {  	_ =	strace s3  }
0xf: {  	_ =	strace $0x8FFFFFFF  }
0x10: {  	s20 =	sld [smem:$0x3FDB];
	_ =	sdelay $0x1  }
0x11: {  	s4 =	simm.s32 $_scs_section_size  }
0x12: {  	s5 =	simm.s32 $_size__tile_overlayer_lowered;
	s6 =	simm.s32 $_tile_overlayer_lowered  }
0x13: {  	s23 =	simm.s32 $0x1BFF;
	s22 =	sshll.u32 s6, $0x1;
	s3 =	sadd.s32 s4, s20  }
0x14: {  	s7 =	simm.s32 $0x0;
	s21 =	sshll.u32 s5, $0x1;
	s5 =	sadd.s32 s22, s3  }
0x15: {  	[timem:s7], [sflag:s23] =	dma.local [hbm:s5], s21  }
0x16: {  	_ =	swait.ge [sflag:s23], s21  }
0x17: {  	s4 =	ssub.s32 $0x0, s21;
	[sflag:s23] =	ssyncset.done $0x0  }
0x18: {  	[sflag:s23] =	ssyncadd.s32 s4;
	_ =	sdelay $0x1  }
0x19: {  	s24 =	simm.s32 $0x1B8B  }
0x1a: {  	_ =	swait.ge [sflag:s24], $0x1  }
0x1b: {  	[sflag:s24] =	ssyncset.done $0x0  }
0x1c: {  	s26 =	simm.s32 $0x1B8E;
	s25 =	sld [smem:$0x3FFE];
	[sflag:s24] =	ssyncadd.s32 $0xFFFFFFFF  }
0x1d: {  	s27 =	simm.s32 $execute0_lowered;
	[smem:$0x3FD2] =	sst s26  }
0x1e: {  	s5 =	sshll.u32 s27, $0x1;
	_ =	strace $0x80000046;
	[dreg:$0x1] =	wrdreg $0xFFFFFFFF  }
0x1f: {  	s28 =	simm.s32 $_size_execute0_lowered;
	s3 =	sadd.s32 s3, s5;
	[dreg:$0x0] =	wrdreg $0x0  }
0x20: {  	s5 =	sshll.u32 s28, $0x1;
	[dreg:$0x2] =	wrdreg s3  }
0x21: {  	[dreg:$0x3] =	wrdreg s5  }
0x22: {  	[dreg:$0x4] =	wrdreg $0xC0  }
0x23: {  	_ =	task [dreg:s7], $0x5FFFF  }
0x24: {  	[dreg:$0x1] =	wrdreg $0xFFFFFFFF  }
0x25: {  	[dreg:$0x0] =	wrdreg $0x60  }
0x26: {  	[dreg:$0x2] =	wrdreg s25  }
0x27: {  	[dreg:$0x3] =	wrdreg s2  }
0x28: {  	[dreg:$0x4] =	wrdreg $0x9  }
0x29: {  	_ =	task.clear_ibuf [dreg:s7], $0x5FFFF;
	_ =	strace $0x90000046  }
0x2a: {  	s29 =	simm.s32 $0x9;
	_ =	strace $0x80000048  }
0x2b: {  	_ =	swait.ge [sflag:s29], $0x1  }
0x2c: {  	[sflag:s29] =	ssyncadd.s32 $0xFFFFFFFF  }
0x2d: {  	_ =	strace $0x90000048  }
0x2e: {  	_ =	sfence  }
0x2f: {  	s30 =	sld [smem:$0x0];
	_ =	sdelay $0x2  }
0x30: {  	s31 =	sshll.u32 s1, $0xD;
	s1 =	sshrl.u32 s1, $0x2  }
0x31: {  	s3 =	sand.u32 $0x4000, s31;
	s1 =	sadd.s32 s1, s30  }
0x32: {  	s0 =	sor.u32 s3, s0;
	s1 =	sshll.u32 s1, $0x11  }
0x33: {  	s0 =	sor.u32 s1, s0  }
0x34: {  	s0 =	sadd.s32 $0x8F2B, s0  }
0x35: {  	[sflag:s0] =	ssyncadd.remote.s32 $0x1  }
0x36: {  	_ =	sfence.sel $0xFFFF  }
0x37: {  	[dreg:$0x0] =	wrdreg $0xFFFFFFFF;
	(pc) =	sbr.abs _section_cstart, $3  }
0x38: {  	[dreg:$0x1] =	wrdreg $0xFFFFFFFF  }
0x39: {  	_ =	task.clear_ibuf [dreg:s7], $0x2FFFF;
	_ =	strace $0x9FFFFFFF  }
0x3a: {  	(tm) =	ssettm $0x7FFFFFFF  }
0x3b: {  	_ =	shalt  }
tec
execute0_lowered:
.L_overlay_start_1:
0x0: {  	(tag) =	ssettag $0x1  }
0x1: {  	s1 =	rddreg [dreg:$0x0]  }
0x2: {  	s2 =	rddreg [dreg:$0x1]  }
0x3: {  	s0 =	rddreg [dreg:$0x2]  }
0x4: {  	s4 =	srdreg.scid;
	_ =	strace $0x80000047;
	s6 =	simm.s32 $0x2  }
0x5: {  	s15 =	simm.s32 $0x0;
	p0 =	por $0x0, $0x0;
	s14 =	simm.s32 $0x0  }
0x6: {  	s16 =	simm.s32 $0x0;
	s7 =	simm.s32 $0x0;
	s9 =	simm.s32 $0x0  }
.Ltmp0:
0x7: {  	s10 =	simm.s32 $0x0;
	s11 =	simm.s32 $0x0;
	(pc) =	sbr.rel .LBB1_1-.Ltmp0, $4  }
0x8: {  	s12 =	simm.s32 $0x0;
	s3 =	sadd.s32 $0x400, s1;
	s4 =	sshll.u32 s4, $0x4  }
0x9: {  	s1 =	stileid.u32;
	s5 =	sand.u32 $0x10, s4;
	s4 =	simm.s32 $0x1  }
0xa: {  	s8 =	simm.s32 $0x0;
	s5 =	sor.u32 s1, s5;
	[sflag:s4] =	ssyncpa.u1 $0x0  }
0xb: {  	[sflag:s6] =	ssyncpa.u1 $0x0;
	s6 =	simm.s32 $0x40000;
	s13 =	smov.u32 s5  }
.LBB1_5:
0xc: {  	p1 =	slt.u32 s8, $0x2;
	s18 =	smov.u32 s16  }
0xd: {  	p2 =	sgt.s32 @!p1 s15, $0x7F;
	s17 =	sshra.s32 @!p1 s15, $0x1F;
	p3 =	sgt.s32 @!p1 s16, $0x7F  }
0xe: {  	s19 =	sshra.s32 @!p1 s16, $0x1F;
	p2 =	por !p2, p1;
	s17 =	sand.u32 @!p1 s17, s15  }
0xf: {  	p3 =	por !p3, p1;
	s16 =	sand.u32 @!p1 s19, s16;
	s19 =	sshra.s32 @!p1 s14, $0x1F  }
0x10: {  	s18 =	simm.s32 @p3 $0x7F;
	p3 =	sgt.s32 @!p1 s14, $0x780;
	s15 =	simm.s32 @p2 $0x7F  }
0x11: {  	s16 =	ssub.s32 @!p1 s18, s16;
	p3 =	por !p3, p1;
	s18 =	smov.u32 s14  }
0x12: {  	s14 =	sand.u32 @!p1 s19, s14;
	s15 =	ssub.s32 @!p1 s15, s17;
	s18 =	simm.s32 @p3 $0x780  }
0x13: {  	s17 =	sadd.s32 @!p1 $0xFFFFFF81, s16;
	s16 =	ssub.s32 @!p1 $0x80, s16;
	s14 =	ssub.s32 @!p1 s18, s14  }
0x14: {  	s18 =	sadd.s32 @!p1 $0xFFFFFF81, s15;
	p2 =	sgt.s32 @!p1 s17, $0x0;
	s17 =	sadd.s32 @!p1 $0xFFFFF880, s14  }
0x15: {  	s15 =	ssub.s32 @!p1 $0xFF, s15;
	p2 =	por !p2, p1;
	p3 =	sgt.s32 @!p1 s17, $0x7F  }
0x16: {  	s14 =	ssub.s32 @!p1 $0x800, s14;
	s16 =	simm.s32 @!p2 $0x0;
	p2 =	por !p3, p1  }
0x17: {  	s17 =	sadd.s32 $0x80, s11;
	p3 =	sgt.s32 @!p1 s18, $0x7F;
	s14 =	simm.s32 @!p2 $0x0  }
0x18: {  	s18 =	smov.u32 s12;
	p2 =	por !p3, p1;
	s14 =	smul.u32 @!p1 s16, s14  }
0x19: {  	s15 =	simm.s32 @!p2 $0x0;
	p2 =	sgt.s32 s17, $0xFE;
	s16 =	sadd.s32 $0x80, s12  }
0x1a: {  	s19 =	smov.u32 s13;
	s18 =	smov.u32 @p2 s16  }
0x1b: {  	s14 =	smul.u32 @!p1 s15, s14;
	p3 =	sgt.s32 s18, $0x7FF;
	s15 =	sadd.s32 $0x20, s13  }
0x1c: {  	s8 =	sadd.s32 $0x1, s8;
	p0 =	por !p0, !p0;
	s19 =	smov.u32 @p3 s15  }
0x1d: {  	s20 =	simm.s32 @!p1 $0x2;
	s17 =	simm.s32 @p2 $0x0;
	p2 =	sgt.s32 s19, $0x7F  }
0x1e: {  	s16 =	smov.u32 s10;
	s19 =	smov.u32 @p2 s5;
	p2 =	sne.s32 s8, $0x82  }
.Ltmp1:
0x1f: {  	s10 =	smov.u32 s13;
	s18 =	simm.s32 @p3 $0x0;
	(pc) =	sbr.rel @!p2 .LBB1_6-.Ltmp1, $4  }
0x20: {  	s15 =	smov.u32 s7;
	s7 =	smov.u32 s11;
	s14 =	sand.u32 @!p1 $0x3FFFFFFF, s14  }
0x21: {  	s11 =	smov.u32 s17;
	_ =	swait.ge @!p1 [sflag:s20], s14;
	s21 =	ssub.s32 @!p1 $0x0, s14  }
0x22: {  	s14 =	smov.u32 s9;
	s9 =	smov.u32 s12;
	[sflag:s20] =	ssyncset.done @!p1 $0x0  }
0x23: {  	s12 =	smov.u32 s18;
	s13 =	smov.u32 s19;
	[sflag:s20] =	ssyncadd.s32 @!p1 s21  }
.LBB1_1:
0x24: {  	p1 =	sgt.u32 s8, $0x7F  }
0x25: {  	s17 =	sxor.u32 @!p1 $0xFFFFFFFF, s8  }
0x26: {  	s18 =	sshll.u32 @!p1 s12, $0x8;
	s19 =	sshll.u32 @!p1 s11, $0x3;
	s20 =	sshll.u32 @!p1 s12, $0x7  }
0x27: {  	s21 =	sand.u32 @!p1 $0x78, s11;
	s18 =	sand.u32 @!p1 $0x7F800, s18;
	s19 =	sand.u32 @!p1 $0x7FC00, s19  }
0x28: {  	s17 =	sshll.u32 @!p1 s17, $0xE;
	s18 =	sadd.s32 @!p1 s18, s19;
	s19 =	sand.u32 @!p1 $0x300, s20  }
0x29: {  	s17 =	sand.u32 @!p1 $0x4000, s17;
	s18 =	sor.u32 @!p1 s19, s18;
	s19 =	sand.u32 @!p1 $0x80, s20  }
0x2a: {  	s20 =	sshll.u32 @!p1 s13, $0x10;
	s19 =	sor.u32 @!p1 s21, s19;
	s18 =	sshrl.u32 @!p1 s18, $0x3  }
0x2b: {  	s20 =	sadd.s32 @!p1 s3, s20;
	s21 =	sand.u32 @!p1 $0x7, s11;
	s19 =	sshrl.u32 @!p1 s19, $0x3  }
0x2c: {  	s18 =	sand.u32 @!p1 $0xFFE0, s18;
	s19 =	sadd.s32 @!p1 s19, s20;
	s20 =	sshll.u32 @!p1 s21, $0x12  }
0x2d: {  	s18 =	sadd.s32 @!p1 s18, s19;
	s19 =	sor.u32 @!p1 $0x400, s20;
	s20 =	simm.s32 @!p1 $0x800  }
0x2e: {  	[tilespmem:s17], [sflag:$0x1] =	stream.strided.gather @!p1 [hbm4b:s18+s19], $0x4000, s20, s19, $0x38;
	[tilespmem:$0x10100] =	vst v63  }
0x2f: {  	p1 =	seq.s32 s8, $0x0  }
0x30: {  	p2 =	seq.s32 @!p1 s8, $0x81  }
0x31: {  	p1 =	por p1, p2  }
.Ltmp2:
0x32: {  	_ = 	snop;
	(pc) =	sbr.rel @p1 .LBB1_5-.Ltmp2, $1  }
0x33: {  	_ =	sdelay $0x3  }
0x34: {  	s17 =	simm.s32 $0x1  }
0x35: {  	_ =	swait.ge [sflag:s4], $0x4000;
	s17 =	simm.s32 @!p0 $0x0  }
0x36: {  	[sflag:s4] =	ssyncset.done $0x0;
	s18 =	sshll.u32 s17, $0xE  }
0x37: {  	[sflag:s4] =	ssyncadd.s32 $0xFFFFC000;
	s18 =	sor.u32 $0x40, s18  }
0x38: {  	s17 =	smul.u32 $0x10200, s17;
	v0 =	vld [tilespmem:s18+$0x30]  }
0x39: {  	v1 =	vld [tilespmem:s18+$0xFFFFFFD0]  }
0x3a: {  	s17 =	sshrl.u32 s17, $0x2;
	v5 =	vld [tilespmem:s18+$0xFFFFFFE0]  }
0x3b: {  	v6 =	vld [tilespmem:s18+$0xFFFFFFF0];
	s20 =	sor.u32 $0x8000, s17  }
0x3c: {  	s31 =	sand.u32 $0x1, s8;
	v4 =	vld [tilespmem:s18+$0x0];
	s19 =	sadd.s32 $0x0, s20  }
0x3d: {  	v3 =	vld [tilespmem:s18+$0x10];
	s17 =	smul.u32 $0x10200, s31;
	[tilespmem:s19+$0x3870 ss:$0x81] =	vst.msk $0xffff, v0  }
0x3e: {  	v2 =	vld [tilespmem:s18+$0x20];
	[tilespmem:s19+$0x810 ss:$0x81] =	vst.msk $0xffff, v1  }
0x3f: {  	s17 =	sshrl.u32 s17, $0x2;
	v1 =	vld [tilespmem:s18+$0xFFFFFFC0];
	[tilespmem:s19+$0x1020 ss:$0x81] =	vst.msk $0xffff, v5;
	s18 =	sadd.s32 $0x80, s18  }
0x40: {  	s21 =	simm.s32 $0x4;
	s22 =	simm.s32 $0x8;
	s17 =	sor.u32 $0x8000, s17;
	[tilespmem:s19+$0x1830 ss:$0x81] =	vst.msk $0xffff, v6;
	v0 =	vld [tilespmem:s18+$0x30]  }
.LBB1_3:
0x41: {  	p1 =	sne.s32 s22, $0x1FC;
	v5 =	vld [tilespmem:s18+$0xFFFFFFD0];
	[tilespmem:s19+$0x2040 ss:$0x81] =	vst.msk $0xffff, v4  }
0x42: {  	v6 =	vld [tilespmem:s18+$0xFFFFFFE0];
	[tilespmem:s19+$0x2850 ss:$0x81] =	vst.msk $0xffff, v3  }
0x43: {  	s23 =	sshra.s32 s21, $0x2;
	s21 =	smov.u32 s22;
	v7 =	vld [tilespmem:s18+$0xFFFFFFF0];
	[tilespmem:s19+$0x3060 ss:$0x81] =	vst.msk $0xffff, v2  }
.Ltmp3:
0x44: {  	v4 =	vld [tilespmem:s18+$0x0];
	[tilespmem:s19+$0x0 ss:$0x81] =	vst.msk $0xffff, v1;
	s19 =	sadd.s32 s23, s20;
	(pc) =	sbr.rel @p1 .LBB1_3-.Ltmp3, $4  }
0x45: {  	v3 =	vld [tilespmem:s18+$0x10];
	[tilespmem:s19+$0x3870 ss:$0x81] =	vst.msk $0xffff, v0  }
0x46: {  	[tilespmem:s19+$0x810 ss:$0x81] =	vst.msk $0xffff, v5;
	v2 =	vld [tilespmem:s18+$0x20]  }
0x47: {  	v1 =	vld [tilespmem:s18+$0xFFFFFFC0];
	[tilespmem:s19+$0x1020 ss:$0x81] =	vst.msk $0xffff, v6;
	s18 =	sadd.s32 $0x80, s18  }
0x48: {  	s22 =	sadd.s32 $0x4, s22;
	v0 =	vld [tilespmem:s18+$0x30];
	[tilespmem:s19+$0x1830 ss:$0x81] =	vst.msk $0xffff, v7  }
0x49: {  	s21 =	sshra.s32 s21, $0x2;
	s28 =	sand.u32 $0x78, s9  }
0x4a: {  	s22 =	sshll.u32 s10, $0x7;
	p1 =	sgt.s32 s10, $0x7F;
	s23 =	smov.u32 s10  }
0x4b: {  	s24 =	sshra.s32 s10, $0x1F;
	s25 =	smov.u32 s7;
	s26 =	sshra.s32 s9, $0x1F  }
0x4c: {  	s31 =	sshll.u32 s10, $0xB;
	s27 =	sshra.s32 s7, $0x1F;
	s20 =	sadd.s32 s21, s20  }
0x4d: {  	s22 =	sand.u32 $0x380, s22;
	s23 =	simm.s32 @!p1 $0x7F;
	p1 =	sgt.s32 s7, $0x7F  }
0x4e: {  	s24 =	sand.u32 s24, s10;
	s30 =	sand.u32 s26, s9;
	s26 =	sand.u32 $0x3C000, s31  }
0x4f: {  	s31 =	sshll.u32 s9, $0x3;
	s21 =	sor.u32 s22, s28;
	s25 =	simm.s32 @!p1 $0x7F  }
0x50: {  	v5 =	vld [tilespmem:s18+$0xFFFFFFD0];
	[tilespmem:s19+$0x2040 ss:$0x81] =	vst.msk $0xffff, v4;
	s29 =	ssub.s32 s23, s24;
	p1 =	sgt.s32 s9, $0x780;
	s24 =	smov.u32 s9  }
0x51: {  	v58 =	vld [tilespmem:s18+$0xFFFFFFE0];
	[tilespmem:s19+$0x2850 ss:$0x81] =	vst.msk $0xffff, v3;
	s26 =	sadd.s32 s26, s31;
	s23 =	sadd.s32 $0xFFFFFF81, s29;
	s24 =	simm.s32 @!p1 $0x780  }
0x52: {  	v59 =	vld [tilespmem:s18+$0xFFFFFFF0];
	[tilespmem:s19+$0x3060 ss:$0x81] =	vst.msk $0xffff, v2;
	p1 =	sgt.s32 s23, $0x0;
	s23 =	ssub.s32 s24, s30;
	s24 =	sand.u32 s27, s7  }
0x53: {  	v60 =	vld [tilespmem:s18+$0x0];
	s22 =	ssub.s32 $0x80, s29;
	[tilespmem:s19+$0x0 ss:$0x81] =	vst.msk $0xffff, v1;
	s27 =	sshll.u32 s7, $0xF;
	s28 =	ssub.s32 s25, s24  }
0x54: {  	v61 =	vld [tilespmem:s18+$0x10];
	[tilespmem:s20+$0x3870 ss:$0x81] =	vst.msk $0xffff, v0;
	s22 =	simm.s32 @p1 $0x0;
	s29 =	sadd.s32 $0xFFFFF880, s23;
	s23 =	ssub.s32 $0x800, s23  }
0x55: {  	v62 =	vld [tilespmem:s18+$0x20];
	[tilespmem:s20+$0x810 ss:$0x81] =	vst.msk $0xffff, v5;
	s25 =	sand.u32 $0x400, s31;
	p1 =	sgt.s32 s29, $0x7F;
	s30 =	sadd.s32 $0xFFFFFF81, s28  }
0x56: {  	v63 =	vld [tilespmem:s18+$0xFFFFFFC0];
	[tilespmem:s20+$0x1020 ss:$0x81] =	vst.msk $0xffff, v58;
	s19 =	ssub.s32 $0xFF, s28;
	s21 =	sor.u32 s25, s21;
	s23 =	simm.s32 @p1 $0x0  }
0x57: {  	[tilespmem:s20+$0x1830 ss:$0x81] =	vst.msk $0xffff, v59;
	s28 =	sshrl.u32 s26, $0x3;
	p1 =	sgt.s32 s30, $0x7F;
	s23 =	smul.u32 s22, s23  }
.Ltmp4:
0x58: {  	[tilespmem:s20+$0x2040 ss:$0x81] =	vst.msk $0xffff, v60;
	s29 =	sand.u32 $0x7, s9;
	s19 =	simm.s32 @p1 $0x0;
	(pc) =	sbr.rel .LBB1_5-.Ltmp4, $4  }
0x59: {  	[tilespmem:s20+$0x2850 ss:$0x81] =	vst.msk $0xffff, v61;
	s22 =	sand.u32 $0x7F00, s28;
	s18 =	smul.u32 s19, s23;
	s19 =	sadd.s32 s2, s27  }
0x5a: {  	[tilespmem:s20+$0x3060 ss:$0x81] =	vst.msk $0xffff, v62;
	s21 =	sshrl.u32 s21, $0x3;
	s30 =	sshll.u32 s29, $0x12;
	s19 =	sadd.s32 s22, s19  }
0x5b: {  	[tilespmem:s20+$0x0 ss:$0x81] =	vst.msk $0xffff, v63;
	s31 =	sor.u32 $0x80, s30;
	s18 =	sand.u32 $0x3FFFFFFF, s18;
	s19 =	sadd.s32 s21, s19  }
0x5c: {  	[hbm4b:s19+s31] =	stream.strided.scatter [tilespmem:s17], [sflag:$0x2], s18, s6, s31, $0x20;
	[tilespmem:$0x10100] =	vst v63  }
.LBB1_6:
0x5d: {  	_ =	sfence.sel $0x180000  }
0x5e: {  	s2 =	simm.s32 $0x1;
	[bflag:$0x0] =	sbarrier.arrive $0xFFFF  }
0x5f: {  	s31 =	simm.s32 $0x2;
	[sflag:s2] =	ssyncpa.u1 $0x1  }
0x60: {  	[sflag:s31] =	ssyncpa.u1 $0x1  }
0x61: {  	p0 =	sne.s32 s1, $0x0;
	_ =	strace $0x90000047  }
0x62: {  	s0 =	sadd.s32 @!p0 $0x100000, s0;
	[bflag:$0x2] =	sbarrier.arrive $0xFFFF  }
0x63: {  	[sflag:s0] =	ssyncadd.tile.s32 @!p0 $0x1;
	_ =	shalt  }
.Lfunc_end1:
_tile_overlayer_lowered:
.L_overlay_start_2:
0x64: {  	(tag) =	ssettag $0x2  }
0x65: {  	s0 =	rddreg [dreg:$0x0];
	s2 =	stileid.u32  }
0x66: {  	s1 =	rddreg [dreg:$0x1];
	p0 =	sne.s32 s2, $0x0  }
0x67: {  	s3 =	rddreg [dreg:$0x2];
	[bflag:$0x3] =	sbarrier.arrive $0xFFFF;
	s2 =	simm.s32 @!p0 $0x1C01  }
0x68: {  	[timem:s3], [sflag:s2] =	dma.local @!p0 [hbm:s0], s1  }
0x69: {  	s0 =	simm.s32 @!p0 $0x1  }
0x6a: {  	_ =	swait.ge @!p0 [sflag:s0], s1  }
0x6b: {  	s1 =	ssub.s32 @!p0 $0x0, s1;
	[sflag:s0] =	ssyncset.done @!p0 $0x0  }
0x6c: {  	[sflag:s0] =	ssyncadd.s32 @!p0 s1  }
0x6d: {  	[bflag:$0x3] =	sbarrier.arrive $0xFFFF  }
0x6e: {  	_ =	shalt  }

</sc_bundles>
